<compile_context>
chip_gen: v7x
topology: tpu7x:2x2x1
jax: 0.10.2.dev20260603
libtpu: 0.0.44.dev20260713+nightly
codegen_flags: <defaults>
</compile_context>

<pallas_src>
import numpy as np
import jax
import jax.numpy as jnp
from jax.experimental import pallas as pl


def _gather_idx():
    o = np.arange(512)
    ch = o // 64
    t = o % 64
    s = (t // 16) * 4 + (t % 8) // 2
    return jnp.asarray(ch * 16 + s, dtype=jnp.int32)


def _body(idx_ref, x_ref, o_ref):
    x = x_ref[...]
    idx = idx_ref[0, :]
    idx3 = jnp.broadcast_to(idx[None, None, :], x.shape[:2] + (512,))
    o_ref[...] = jnp.take_along_axis(x, idx3, axis=2)


def kernel(arg0_1):
    B = arg0_1.shape[0]
    bm = 32
    xf = arg0_1.reshape(B, 96, 128)
    idx = _gather_idx().reshape(1, 512)
    out = pl.pallas_call(
        _body,
        grid=(B // bm,),
        in_specs=[
            pl.BlockSpec((1, 512), lambda i: (0, 0)),
            pl.BlockSpec((bm, 96, 128), lambda i: (i, 0, 0)),
        ],
        out_specs=pl.BlockSpec((bm, 96, 512), lambda i: (i, 0, 0)),
        out_shape=jax.ShapeDtypeStruct((B, 96, 512), jnp.float32),
    )(idx, xf)
    return (out.reshape(B, 768, 8, 8),)

# --- scband reference (transcript-rebuilt; emitter-appended) ---
"""Pipeline reference for scband-repro-30623116820491 (READ-ONLY COPY).

The authoritative reference and input builder live on the scoring server;
editing this copy changes nothing except your own understanding.
"""

import jax, jax.numpy as jnp
import numpy as np


def _nn_idx(n):
    # faithful to the traced graph: iota -> f64 -> *1 +0 -> f32 -> +0.0 -> *0.5 -> int
    i = jnp.arange(n)
    idx = ((i.astype(jnp.float32) * 1.0 + 0.0) + 0.0) * 0.5
    return idx.astype(jnp.int32)


def setup_inputs(seed: int = 0) -> dict:
    key = jax.random.key(seed)
    arg0_1 = jax.random.normal(key, (1024, 768, 4, 4), dtype=jnp.float32)
    return {"arg0_1": arg0_1}


def reference(arg0_1):
    row = _nn_idx(8)
    col = _nn_idx(8)
    # torch.ops.aten._unsafe_index with [None, None, row[:, None], col]
    out = arg0_1[:, :, row[:, None], col[None, :]]
    return (out,)

if __name__ == "__main__":
    import jax
    _d = setup_inputs()
    print(jax.jit(kernel)(*tuple(_d.values())))

</pallas_src>

<mosaic_0001>
module attributes {stable_mosaic.version = 14 : i64} {
  func.func @_body(%arg0: i32, %arg1: memref<1x512xi32, #tpu.memory_space<vmem>>, %arg2: memref<32x96x128xf32, #tpu.memory_space<vmem>>, %arg3: memref<32x96x512xf32, #tpu.memory_space<vmem>>) attributes {dimension_semantics = [#tpu.dimension_semantics<arbitrary>], iteration_bounds = array<i64: 32>, scalar_prefetch = 0 : i64, scratch_operands = 0 : i64, tpu.core_type = #tpu.core_type<tc>, window_params = [{pipeline_mode = #tpu.pipeline_mode<synchronous>, transform_indices = @transform_0, window_bounds = array<i64: 1, 512>}, {transform_indices = @transform_1, window_bounds = array<i64: 32, 96, 128>}, {transform_indices = @transform_2, window_bounds = array<i64: 32, 96, 512>}]} {
    %get3A = arith.constant 0 : index
    %get3A_0 = arith.constant 0 : index
    %get3A_1 = arith.constant 0 : index
    %get3A_2 = vector.load %arg2[%get3A, %get3A_0, %get3A_1] : memref<32x96x128xf32, #tpu.memory_space<vmem>>, vector<32x96x128xf32>
    %get3A_3 = arith.constant 0 : index
    %get3A_4 = arith.constant 0 : index
    %get3A_5 = vector.load %arg1[%get3A_3, %get3A_4] : memref<1x512xi32, #tpu.memory_space<vmem>>, vector<1x512xi32>
    %get3A_6 = vector.shape_cast %get3A_5 : vector<1x512xi32> to vector<512xi32>
    %broadcast_in_dim3A = vector.shape_cast %get3A_6 : vector<512xi32> to vector<1x1x512xi32>
    %broadcast_in_dim3A_7 = vector.shape_cast %broadcast_in_dim3A : vector<1x1x512xi32> to vector<1x1x512xi32>
    %broadcast_in_dim3A_8 = vector.broadcast %broadcast_in_dim3A_7 : vector<1x1x512xi32> to vector<32x96x512xi32>
    %lt3A = arith.constant 0 : i32
    %lt3A_9 = vector.broadcast %lt3A : i32 to vector<32x96x512xi32>
    %lt3A_10 = arith.cmpi slt, %broadcast_in_dim3A_8, %lt3A_9 : vector<32x96x512xi32>
    %add3A = arith.constant 128 : i32
    %add3A_11 = vector.broadcast %add3A : i32 to vector<32x96x512xi32>
    %add3A_12 = arith.addi %broadcast_in_dim3A_8, %add3A_11 : vector<32x96x512xi32>
    %select_n3A = arith.select %lt3A_10, %add3A_12, %broadcast_in_dim3A_8 : vector<32x96x512xi1>, vector<32x96x512xi32>
    %reshape3A = vector.shape_cast %select_n3A : vector<32x96x512xi32> to vector<32x96x512x1xi32>
    %gather3A = vector.shape_cast %reshape3A : vector<32x96x512x1xi32> to vector<32x96x512xi32>
    %gather3A_13 = tpu.dynamic_gather %get3A_2[%gather3A] in [2] : vector<32x96x128xf32>, vector<32x96x512xi32> -> vector<32x96x512xf32>
    %swap3A = arith.constant 0 : index
    %swap3A_14 = arith.constant 0 : index
    %swap3A_15 = arith.constant 0 : index
    %swap3A_16 = vector.load %arg3[%swap3A, %swap3A_14, %swap3A_15] : memref<32x96x512xf32, #tpu.memory_space<vmem>>, vector<32x96x512xf32>
    tpu.vector_store %arg3[%swap3A, %swap3A_14, %swap3A_15], %gather3A_13 {strides = array<i32>} : memref<32x96x512xf32, #tpu.memory_space<vmem>>, vector<32x96x512xf32>,
    return
  }
  func.func @transform_0(%arg0: i32) -> (i32, i32) {
    %c0_i32 = arith.constant 0 : i32
    %c0_i32_0 = arith.constant 0 : i32
    %c0_i32_1 = arith.constant 0 : i32
    return %c0_i32, %c0_i32_0 : i32, i32
  }
  func.func @transform_1(%arg0: i32) -> (i32, i32, i32) {
    %c0_i32 = arith.constant 0 : i32
    %c0_i32_0 = arith.constant 0 : i32
    %c0_i32_1 = arith.constant 0 : i32
    return %arg0, %c0_i32, %c0_i32_0 : i32, i32, i32
  }
  func.func @transform_2(%arg0: i32) -> (i32, i32, i32) {
    %c0_i32 = arith.constant 0 : i32
    %c0_i32_0 = arith.constant 0 : i32
    %c0_i32_1 = arith.constant 0 : i32
    return %arg0, %c0_i32, %c0_i32_0 : i32, i32, i32
  }
}

</mosaic_0001>

<sc_bundles>
// kernel: sparse-core-data-format-call.cloned.1.call-start
scs
called_computation_lowered:
.L_overlay_start_0:
0x0: {  	s2 =	sld [smem:$0x3FD9]  }
0x1: {  	s3 =	sld [smem:$0x3FFE];
	_ =	sdelay $0x1  }
0x2: {  	s1 =	srdreg.scid  }
0x3: {  	s0 =	sand.u32 $0x1, s1  }
0x4: {  	s18 =	sshll.u32 s0, $0xA;
	s2 =	sadd.s32 s3, s2  }
0x5: {  	s2 =	sadd.s32 s2, s18  }
0x6: {  	[smem:$0x3FC7] =	sst s2  }
0x7: {  	_ = 	snop  }
0x8: {  	s2 =	sld [smem:$0x3FD0];
	(tm) =	ssettm $0x1  }
0x9: {  	s19 =	sld [smem:$0x3FFB];
	_ =	sdelay $0x3  }
0xa: {  	_ =	strace s19  }
0xb: {  	s3 =	sld [smem:$0x3FFC];
	_ =	sdelay $0x3  }
0xc: {  	_ =	strace s3  }
0xd: {  	s3 =	sld [smem:$0x3FFD];
	_ =	sdelay $0x3  }
0xe: {  	_ =	strace s3  }
0xf: {  	_ =	strace $0x8FFFFFFF  }
0x10: {  	s20 =	sld [smem:$0x3FDB];
	_ =	sdelay $0x1  }
0x11: {  	s4 =	simm.s32 $_scs_section_size  }
0x12: {  	s5 =	simm.s32 $_size__tile_overlayer_lowered;
	s6 =	simm.s32 $_tile_overlayer_lowered  }
0x13: {  	s23 =	simm.s32 $0x1BFF;
	s22 =	sshll.u32 s6, $0x1;
	s3 =	sadd.s32 s4, s20  }
0x14: {  	s7 =	simm.s32 $0x0;
	s21 =	sshll.u32 s5, $0x1;
	s5 =	sadd.s32 s22, s3  }
0x15: {  	[timem:s7], [sflag:s23] =	dma.local [hbm:s5], s21  }
0x16: {  	_ =	swait.ge [sflag:s23], s21  }
0x17: {  	s4 =	ssub.s32 $0x0, s21;
	[sflag:s23] =	ssyncset.done $0x0  }
0x18: {  	[sflag:s23] =	ssyncadd.s32 s4;
	_ =	sdelay $0x1  }
0x19: {  	s24 =	simm.s32 $0x1B8B  }
0x1a: {  	_ =	swait.ge [sflag:s24], $0x1  }
0x1b: {  	[sflag:s24] =	ssyncset.done $0x0  }
0x1c: {  	s26 =	simm.s32 $0x1B8E;
	s25 =	sld [smem:$0x3FFE];
	[sflag:s24] =	ssyncadd.s32 $0xFFFFFFFF  }
0x1d: {  	s27 =	simm.s32 $execute0_lowered;
	[smem:$0x3FD2] =	sst s26  }
0x1e: {  	s5 =	sshll.u32 s27, $0x1;
	_ =	strace $0x80000046;
	[dreg:$0x1] =	wrdreg $0xFFFFFFFF  }
0x1f: {  	s28 =	simm.s32 $_size_execute0_lowered;
	s3 =	sadd.s32 s3, s5;
	[dreg:$0x0] =	wrdreg $0x0  }
0x20: {  	s5 =	sshll.u32 s28, $0x1;
	[dreg:$0x2] =	wrdreg s3  }
0x21: {  	[dreg:$0x3] =	wrdreg s5  }
0x22: {  	[dreg:$0x4] =	wrdreg $0xC0  }
0x23: {  	_ =	task [dreg:s7], $0x5FFFF  }
0x24: {  	[dreg:$0x1] =	wrdreg $0xFFFFFFFF  }
0x25: {  	[dreg:$0x0] =	wrdreg $0x60  }
0x26: {  	[dreg:$0x2] =	wrdreg s25  }
0x27: {  	[dreg:$0x3] =	wrdreg s2  }
0x28: {  	[dreg:$0x4] =	wrdreg $0x9  }
0x29: {  	_ =	task.clear_ibuf [dreg:s7], $0x5FFFF;
	_ =	strace $0x90000046  }
0x2a: {  	s29 =	simm.s32 $0x9;
	_ =	strace $0x80000048  }
0x2b: {  	_ =	swait.ge [sflag:s29], $0x1  }
0x2c: {  	[sflag:s29] =	ssyncadd.s32 $0xFFFFFFFF  }
0x2d: {  	_ =	strace $0x90000048  }
0x2e: {  	_ =	sfence  }
0x2f: {  	s30 =	sld [smem:$0x0];
	_ =	sdelay $0x2  }
0x30: {  	s31 =	sshll.u32 s1, $0xD;
	s1 =	sshrl.u32 s1, $0x2  }
0x31: {  	s3 =	sand.u32 $0x4000, s31;
	s1 =	sadd.s32 s1, s30  }
0x32: {  	s0 =	sor.u32 s3, s0;
	s1 =	sshll.u32 s1, $0x11  }
0x33: {  	s0 =	sor.u32 s1, s0  }
0x34: {  	s0 =	sadd.s32 $0x8F2B, s0  }
0x35: {  	[sflag:s0] =	ssyncadd.remote.s32 $0x1  }
0x36: {  	_ =	sfence.sel $0xFFFF  }
0x37: {  	[dreg:$0x0] =	wrdreg $0xFFFFFFFF;
	(pc) =	sbr.abs _section_cstart, $3  }
0x38: {  	[dreg:$0x1] =	wrdreg $0xFFFFFFFF  }
0x39: {  	_ =	task.clear_ibuf [dreg:s7], $0x2FFFF;
	_ =	strace $0x9FFFFFFF  }
0x3a: {  	(tm) =	ssettm $0x7FFFFFFF  }
0x3b: {  	_ =	shalt  }
tec
execute0_lowered:
.L_overlay_start_1:
0x0: {  	(tag) =	ssettag $0x1  }
0x1: {  	s1 =	rddreg [dreg:$0x0]  }
0x2: {  	s2 =	rddreg [dreg:$0x1]  }
0x3: {  	s0 =	rddreg [dreg:$0x2];
	s4 =	srdreg.scid  }
0x4: {  	_ =	strace $0x80000047;
	s7 =	simm.s32 $0x2;
	s13 =	simm.s32 $0x0  }
0x5: {  	p0 =	por $0x0, $0x0;
	s16 =	simm.s32 $0x0;
	s14 =	simm.s32 $0x0  }
0x6: {  	s15 =	simm.s32 $0x0;
	s9 =	simm.s32 $0x0;
	s12 =	simm.s32 $0x0  }
.Ltmp0:
0x7: {  	s3 =	sadd.s32 $0x600, s1;
	s4 =	sshll.u32 s4, $0x4;
	(pc) =	sbr.rel .LBB1_1-.Ltmp0, $4  }
0x8: {  	s1 =	stileid.u32;
	s5 =	sand.u32 $0x10, s4;
	s4 =	simm.s32 $0x1  }
0x9: {  	s8 =	simm.s32 $0x0;
	s6 =	sor.u32 s1, s5;
	[sflag:s4] =	ssyncpa.u1 $0x0  }
0xa: {  	s5 =	sand.u32 $0x7, s1;
	s6 =	sshrl.u32 s6, $0x3;
	[sflag:s7] =	ssyncpa.u1 $0x0  }
0xb: {  	s7 =	simm.s32 $0xC000;
	s11 =	smov.u32 s5;
	s10 =	smov.u32 s6  }
.LBB1_5:
0xc: {  	s17 =	sadd.s32 $0x80, s9  }
0xd: {  	s13 =	sadd.s32 $0x4, s10;
	s18 =	smov.u32 s10;
	p2 =	sgt.s32 s17, $0x3FF  }
0xe: {  	s18 =	smov.u32 @p2 s13  }
0xf: {  	s19 =	smov.u32 s11;
	s13 =	sadd.s32 $0x8, s11;
	p3 =	sgt.s32 s18, $0x7  }
0x10: {  	s19 =	smov.u32 @p3 s13  }
0x11: {  	s20 =	smov.u32 s12;
	s13 =	sadd.s32 $0x80, s12;
	p4 =	sgt.s32 s19, $0x7  }
0x12: {  	p1 =	slt.u32 s8, $0x2;
	s20 =	smov.u32 @p4 s13  }
0x13: {  	s8 =	sadd.s32 $0x1, s8;
	s17 =	simm.s32 @p2 $0x0;
	p2 =	sgt.s32 s20, $0x2FF  }
0x14: {  	s21 =	simm.s32 @!p1 $0x2;
	s20 =	simm.s32 @p2 $0x0;
	p2 =	sne.s32 s8, $0x62  }
.Ltmp1:
0x15: {  	s16 =	smov.u32 s10;
	_ =	swait.ge @!p1 [sflag:s21], $0x4000;
	(pc) =	sbr.rel @!p2 .LBB1_6-.Ltmp1, $4  }
0x16: {  	s14 =	smov.u32 s11;
	s15 =	smov.u32 s12;
	[sflag:s21] =	ssyncset.done @!p1 $0x0  }
0x17: {  	p0 =	por !p0, !p0;
	s18 =	smov.u32 @p3 s6;
	[sflag:s21] =	ssyncadd.s32 @!p1 $0xFFFFC000  }
0x18: {  	s10 =	smov.u32 s18;
	s19 =	smov.u32 @p4 s5;
	s13 =	smov.u32 s9  }
0x19: {  	s9 =	smov.u32 s17;
	s11 =	smov.u32 s19;
	s12 =	smov.u32 s20  }
.LBB1_1:
0x1a: {  	p1 =	sgt.u32 s8, $0x5F  }
0x1b: {  	s17 =	sxor.u32 @!p1 $0xFFFFFFFF, s8  }
0x1c: {  	s18 =	sshll.u32 @!p1 s10, $0x7;
	s19 =	sand.u32 @!p1 $0x78, s9;
	s20 =	sshll.u32 @!p1 s12, $0xD  }
0x1d: {  	s21 =	sand.u32 @!p1 $0x380, s9;
	s17 =	sshll.u32 @!p1 s17, $0xE;
	s18 =	sand.u32 @!p1 $0x380, s18  }
0x1e: {  	s20 =	sadd.s32 @!p1 s3, s20;
	s18 =	sor.u32 @!p1 s19, s18;
	s19 =	sshll.u32 @!p1 s11, $0xA  }
0x1f: {  	s17 =	sand.u32 @!p1 $0x4000, s17;
	s19 =	sadd.s32 @!p1 s19, s20;
	s20 =	sand.u32 @!p1 $0x7, s9  }
0x20: {  	s18 =	sshrl.u32 @!p1 s18, $0x3;
	s19 =	sadd.s32 @!p1 s21, s19;
	s20 =	sshll.u32 @!p1 s20, $0x12  }
0x21: {  	s18 =	sadd.s32 @!p1 s18, s19;
	s19 =	sor.u32 @!p1 $0x80, s20;
	s20 =	simm.s32 @!p1 $0x10000  }
0x22: {  	[tilespmem:s17], [sflag:$0x1] =	stream.strided.gather @!p1 [hbm4b:s18+s19], $0x4000, s20, s19, $0x38;
	[tilespmem:$0x10100] =	vst v63  }
0x23: {  	p1 =	seq.s32 s8, $0x0  }
0x24: {  	p2 =	seq.s32 @!p1 s8, $0x61  }
0x25: {  	p1 =	por p1, p2  }
.Ltmp2:
0x26: {  	_ = 	snop;
	(pc) =	sbr.rel @p1 .LBB1_5-.Ltmp2, $1  }
0x27: {  	_ =	sdelay $0x3  }
0x28: {  	s17 =	simm.s32 $0x1  }
0x29: {  	_ =	swait.ge [sflag:s4], $0x4000;
	s17 =	simm.s32 @!p0 $0x0  }
0x2a: {  	[sflag:s4] =	ssyncset.done $0x0;
	s18 =	sshll.u32 s17, $0xE  }
0x2b: {  	[sflag:s4] =	ssyncadd.s32 $0xFFFFC000;
	s20 =	sor.u32 $0x40, s18  }
0x2c: {  	s17 =	smul.u32 $0x10200, s17;
	v0 =	vld [tilespmem:s20+$0x30]  }
0x2d: {  	v1 =	vld [tilespmem:s20+$0xFFFFFFD0]  }
0x2e: {  	s17 =	sshrl.u32 s17, $0x2;
	v5 =	vld [tilespmem:s20+$0xFFFFFFE0]  }
0x2f: {  	v6 =	vld [tilespmem:s20+$0xFFFFFFF0];
	s18 =	sor.u32 $0x8000, s17  }
0x30: {  	s31 =	sand.u32 $0x1, s8;
	v4 =	vld [tilespmem:s20+$0x0];
	s19 =	sadd.s32 $0x0, s18  }
0x31: {  	v3 =	vld [tilespmem:s20+$0x10];
	s17 =	smul.u32 $0x10200, s31;
	[tilespmem:s19+$0x3870 ss:$0x81] =	vst.msk $0xffff, v0  }
0x32: {  	v2 =	vld [tilespmem:s20+$0x20];
	[tilespmem:s19+$0x810 ss:$0x81] =	vst.msk $0xffff, v1  }
0x33: {  	s17 =	sshrl.u32 s17, $0x2;
	v0 =	vld [tilespmem:s20+$0xFFFFFFC0];
	[tilespmem:s19+$0x1020 ss:$0x81] =	vst.msk $0xffff, v5;
	s20 =	sadd.s32 $0x80, s20  }
0x34: {  	s21 =	simm.s32 $0x4;
	s22 =	simm.s32 $0x8;
	s17 =	sor.u32 $0x8000, s17;
	[tilespmem:s19+$0x1830 ss:$0x81] =	vst.msk $0xffff, v6;
	v1 =	vld [tilespmem:s20+$0x30]  }
.LBB1_3:
0x35: {  	p1 =	sne.s32 s22, $0x1FC;
	v5 =	vld [tilespmem:s20+$0xFFFFFFD0];
	[tilespmem:s19+$0x2040 ss:$0x81] =	vst.msk $0xffff, v4  }
0x36: {  	v6 =	vld [tilespmem:s20+$0xFFFFFFE0];
	[tilespmem:s19+$0x2850 ss:$0x81] =	vst.msk $0xffff, v3  }
0x37: {  	s23 =	sshra.s32 s21, $0x2;
	s21 =	smov.u32 s22;
	v7 =	vld [tilespmem:s20+$0xFFFFFFF0];
	[tilespmem:s19+$0x3060 ss:$0x81] =	vst.msk $0xffff, v2  }
.Ltmp3:
0x38: {  	v4 =	vld [tilespmem:s20+$0x0];
	[tilespmem:s19+$0x0 ss:$0x81] =	vst.msk $0xffff, v0;
	s19 =	sadd.s32 s23, s18;
	(pc) =	sbr.rel @p1 .LBB1_3-.Ltmp3, $4  }
0x39: {  	v3 =	vld [tilespmem:s20+$0x10];
	[tilespmem:s19+$0x3870 ss:$0x81] =	vst.msk $0xffff, v1  }
0x3a: {  	[tilespmem:s19+$0x810 ss:$0x81] =	vst.msk $0xffff, v5;
	v2 =	vld [tilespmem:s20+$0x20]  }
0x3b: {  	v0 =	vld [tilespmem:s20+$0xFFFFFFC0];
	[tilespmem:s19+$0x1020 ss:$0x81] =	vst.msk $0xffff, v6;
	s20 =	sadd.s32 $0x80, s20  }
0x3c: {  	s22 =	sadd.s32 $0x4, s22;
	v1 =	vld [tilespmem:s20+$0x30];
	[tilespmem:s19+$0x1830 ss:$0x81] =	vst.msk $0xffff, v7  }
0x3d: {  	s22 =	sshrl.u32 s16, $0x3  }
0x3e: {  	s23 =	sshll.u32 s15, $0x3;
	s22 =	smul.u32 $0x1800, s22  }
0x3f: {  	s27 =	sshll.u32 s16, $0x7;
	s23 =	sand.u32 $0xFFFFFC00, s23  }
0x40: {  	v5 =	vld [tilespmem:s20+$0xFFFFFFD0];
	[tilespmem:s19+$0x2040 ss:$0x81] =	vst.msk $0xffff, v4;
	s16 =	sand.u32 $0x380, s27;
	s22 =	sadd.s32 s23, s22  }
0x41: {  	s28 =	sand.u32 $0x7F, s15;
	v58 =	vld [tilespmem:s20+$0xFFFFFFE0];
	[tilespmem:s19+$0x2850 ss:$0x81] =	vst.msk $0xffff, v3;
	s16 =	sor.u32 s16, s22  }
0x42: {  	s21 =	sshra.s32 s21, $0x2;
	v59 =	vld [tilespmem:s20+$0xFFFFFFF0];
	[tilespmem:s19+$0x3060 ss:$0x81] =	vst.msk $0xffff, v2;
	s15 =	sor.u32 s28, s16;
	s16 =	smulhi.u32 $0xAAAAAAAB, s16  }
0x43: {  	v60 =	vld [tilespmem:s20+$0x0];
	s18 =	sadd.s32 s21, s18;
	[tilespmem:s19+$0x0 ss:$0x81] =	vst.msk $0xffff, v0;
	s29 =	smulhi.u32 $0xAAAAAAAB, s15  }
0x44: {  	v61 =	vld [tilespmem:s20+$0x10];
	s14 =	smul.u32 $0x300, s14;
	[tilespmem:s18+$0x3870 ss:$0x81] =	vst.msk $0xffff, v1  }
0x45: {  	v62 =	vld [tilespmem:s20+$0x20];
	s13 =	smul.u32 $0x1800, s13;
	[tilespmem:s18+$0x810 ss:$0x81] =	vst.msk $0xffff, v5;
	s16 =	sshrl.u32 s16, $0x9;
	s30 =	sshrl.u32 s29, $0x9  }
0x46: {  	v63 =	vld [tilespmem:s20+$0xFFFFFFC0];
	[tilespmem:s18+$0x1020 ss:$0x81] =	vst.msk $0xffff, v58;
	s16 =	sand.u32 $0x7, s16;
	s19 =	smul.u32 $0x300, s30  }
0x47: {  	[tilespmem:s18+$0x1830 ss:$0x81] =	vst.msk $0xffff, v59;
	s16 =	smul.u32 $0x60, s16  }
.Ltmp4:
0x48: {  	s14 =	sadd.s32 s2, s14;
	[tilespmem:s18+$0x2040 ss:$0x81] =	vst.msk $0xffff, v60;
	s15 =	ssub.s32 s15, s19;
	(pc) =	sbr.rel .LBB1_5-.Ltmp4, $4  }
0x49: {  	s13 =	sadd.s32 s13, s14;
	[tilespmem:s18+$0x2850 ss:$0x81] =	vst.msk $0xffff, v61;
	s31 =	sand.u32 $0x7, s15  }
0x4a: {  	[tilespmem:s18+$0x3060 ss:$0x81] =	vst.msk $0xffff, v62;
	s13 =	sadd.s32 s16, s13;
	s15 =	sshrl.u32 s15, $0x3;
	s14 =	sshll.u32 s31, $0x12  }
0x4b: {  	[tilespmem:s18+$0x0 ss:$0x81] =	vst.msk $0xffff, v63;
	s13 =	sadd.s32 s15, s13;
	s14 =	sor.u32 $0x80, s14  }
0x4c: {  	[hbm4b:s13+s14] =	stream.strided.scatter [tilespmem:s17], [sflag:$0x2], $0x4000, s7, s14, $0x20;
	[tilespmem:$0x10100] =	vst v63  }
.LBB1_6:
0x4d: {  	_ =	sfence.sel $0x180000  }
0x4e: {  	s2 =	simm.s32 $0x1;
	[bflag:$0x0] =	sbarrier.arrive $0xFFFF  }
0x4f: {  	s31 =	simm.s32 $0x2;
	[sflag:s2] =	ssyncpa.u1 $0x1  }
0x50: {  	[sflag:s31] =	ssyncpa.u1 $0x1  }
0x51: {  	p0 =	sne.s32 s1, $0x0;
	_ =	strace $0x90000047  }
0x52: {  	s0 =	sadd.s32 @!p0 $0x100000, s0;
	[bflag:$0x2] =	sbarrier.arrive $0xFFFF  }
0x53: {  	[sflag:s0] =	ssyncadd.tile.s32 @!p0 $0x1;
	_ =	shalt  }
.Lfunc_end1:
_tile_overlayer_lowered:
.L_overlay_start_2:
0x54: {  	(tag) =	ssettag $0x2  }
0x55: {  	s0 =	rddreg [dreg:$0x0];
	s2 =	stileid.u32  }
0x56: {  	s1 =	rddreg [dreg:$0x1];
	p0 =	sne.s32 s2, $0x0  }
0x57: {  	s3 =	rddreg [dreg:$0x2];
	[bflag:$0x3] =	sbarrier.arrive $0xFFFF;
	s2 =	simm.s32 @!p0 $0x1C01  }
0x58: {  	[timem:s3], [sflag:s2] =	dma.local @!p0 [hbm:s0], s1  }
0x59: {  	s0 =	simm.s32 @!p0 $0x1  }
0x5a: {  	_ =	swait.ge @!p0 [sflag:s0], s1  }
0x5b: {  	s1 =	ssub.s32 @!p0 $0x0, s1;
	[sflag:s0] =	ssyncset.done @!p0 $0x0  }
0x5c: {  	[sflag:s0] =	ssyncadd.s32 @!p0 s1  }
0x5d: {  	[bflag:$0x3] =	sbarrier.arrive $0xFFFF  }
0x5e: {  	_ =	shalt  }

</sc_bundles>
